<compile_context>
chip_gen: v7x
topology: tpu7x:2x2x1
jax: 0.10.2.dev20260603
libtpu: 0.0.44.dev20260713+nightly
codegen_flags: <defaults>
</compile_context>

<pallas_src>
import functools

import jax
import jax.numpy as jnp
from jax import lax
from jax.experimental import pallas as pl
from jax.experimental.pallas import tpu as pltpu
from jax.experimental.pallas import tpu_sc as plsc

N_FAM = 12
SED = 32
ENC = 128
B, L = 16384, 20
N = B * L


MB = 8192
K = B // MB
GRID = L * K


def _tc_tables(fe_ref, rb_ref, w1_ref, b1_ref, w2_ref, b2_ref,
               ws_ref, bs_ref, wsh_ref, bsh_ref):
    raw = fe_ref[...] + rb_ref[...]
    h = lax.dot_general(raw, w1_ref[...], (((1,), (1,)), ((), ())),
                        preferred_element_type=jnp.float32) + b1_ref[...]
    h = h * jax.nn.sigmoid(h)
    p = lax.dot_general(h, w2_ref[...], (((1,), (1,)), ((), ())),
                        preferred_element_type=jnp.float32) + b2_ref[...]
    s = lax.dot_general(p, ws_ref[...], (((1,), (1,)), ((), ())),
                        preferred_element_type=jnp.float32) + bs_ref[...]
    sh = lax.dot_general(p, wsh_ref[...], (((1,), (1,)), ((), ())),
                         preferred_element_type=jnp.float32) + bsh_ref[...]
    return p, s, sh


def _tables_body(fe_ref, rb_ref, w1_ref, b1_ref, w2_ref, b2_ref,
                 ws_ref, bs_ref, wsh_ref, bsh_ref, tsh_ref):
    _, _, sh = _tc_tables(fe_ref, rb_ref, w1_ref, b1_ref, w2_ref, b2_ref,
                          ws_ref, bs_ref, wsh_ref, bsh_ref)
    tsh_ref[...] = sh


def _tables(fe, rb, w1, b1, w2, b2, ws, bs, wsh, bsh):
    return pl.pallas_call(
        _tables_body,
        out_shape=jax.ShapeDtypeStruct((N_FAM, ENC), jnp.float32),
    )(fe, rb, w1, b1, w2, b2, ws, bs, wsh, bsh)


def _expand_body(ids_ref, fe_ref, rb_ref, w1_ref, b1_ref, w2_ref, b2_ref,
                 ws_ref, bs_ref, wsh_ref, bsh_ref,
                 proj_ref, scale_ref):
    p, s, _ = _tc_tables(fe_ref, rb_ref, w1_ref, b1_ref, w2_ref, b2_ref,
                         ws_ref, bs_ref, wsh_ref, bsh_ref)
    table = jnp.concatenate([p, s], axis=1)

    ids = ids_ref[...]
    iota = lax.broadcasted_iota(jnp.int32, (N_FAM, MB), 0)
    oh = jnp.where(ids == iota, 1.0, 0.0).astype(jnp.float32)
    res = lax.dot_general(oh, table, (((0,), (0,)), ((), ())),
                          preferred_element_type=jnp.float32)
    proj_ref[...] = res[:, 0:ENC].reshape(1, MB, ENC)
    scale_ref[...] = res[:, ENC:2 * ENC].reshape(1, MB, ENC)


def _tc_expand(ids_lm, fe, rb, w1, b1, w2, b2, ws, bs, wsh, bsh):
    full = lambda shape: pl.BlockSpec(shape, lambda i: (0,) * len(shape))
    out_spec = pl.BlockSpec((1, MB, ENC), lambda i: (i // K, i % K, 0))
    out_sds = jax.ShapeDtypeStruct((L, B, ENC), jnp.float32)
    return pl.pallas_call(
        _expand_body,
        grid=(GRID,),
        in_specs=[
            pl.BlockSpec((1, MB), lambda i: (0, i)),
            full((N_FAM, SED)), full((N_FAM, SED)),
            full((ENC, SED)), full((1, ENC)),
            full((ENC, ENC)), full((1, ENC)),
            full((ENC, ENC)), full((1, ENC)),
            full((ENC, ENC)), full((1, ENC)),
        ],
        out_specs=[out_spec, out_spec],
        out_shape=[out_sds, out_sds],
        compiler_params=pltpu.CompilerParams(
            dimension_semantics=("parallel",)),
    )(ids_lm, fe, rb, w1, b1, w2, b2, ws, bs, wsh, bsh)



NC, NS = 2, 16
NW = NC * NS
NPW = N // NW
CH = 128
NCHUNK = NPW // CH

@functools.cache
def _sc_expand_kernel():
    mesh = plsc.VectorSubcoreMesh(core_axis_name="c", subcore_axis_name="s")
    return functools.partial(
        pl.kernel,
        out_type=jax.ShapeDtypeStruct((N, ENC), jnp.float32),
        mesh=mesh,
        scratch_types=[
            pltpu.VMEM((NPW,), jnp.int32),
            pltpu.VMEM_SHARED((N_FAM, ENC), jnp.float32),
            pltpu.VMEM((CH, ENC), jnp.float32),
            pltpu.VMEM((CH, ENC), jnp.float32),
            pltpu.SemaphoreType.DMA,
            pltpu.SemaphoreType.DMA,
        ],
    )(_sc_expand_body)


def _sc_expand_body(ids_hbm, tsh_hbm, sho_hbm,
                    ids_v, tshv, buf0, buf1, sem_g, sem_p):
    wid = lax.axis_index("s") * NC + lax.axis_index("c")
    base = wid * NPW
    pltpu.sync_copy(ids_hbm.at[pl.ds(base, NPW)], ids_v)

    @pl.when(lax.axis_index("s") == 0)
    def _stage():
        pltpu.sync_copy(tsh_hbm, tshv)

    plsc.subcore_barrier()

    def gather(g, buf):
        return pltpu.async_copy(tshv.at[ids_v.at[pl.ds(g * CH, CH)]],
                                buf, sem_g)

    def put(g, buf):
        return pltpu.async_copy(buf, sho_hbm.at[pl.ds(base + g * CH, CH)],
                                sem_p)

    gather(0, buf0).wait()

    def pair(i, _):
        g1 = gather(2 * i + 1, buf1)
        put(2 * i, buf0).wait()
        g1.wait()
        p1 = put(2 * i + 1, buf1)

        @pl.when(i + 1 < NCHUNK // 2)
        def _next():
            gather(2 * (i + 1), buf0).wait()

        p1.wait()
        return 0

    lax.fori_loop(0, NCHUNK // 2, pair, 0)


def kernel(script_ids, family_embed, retroflex_bias, W1, b1, W2, b2, Ws, bs, Wsh, bsh):
    b1r, b2r = b1.reshape(1, ENC), b2.reshape(1, ENC)
    bsr, bshr = bs.reshape(1, ENC), bsh.reshape(1, ENC)
    tsh = _tables(family_embed, retroflex_bias, W1, b1r, W2, b2r,
                  Ws, bsr, Wsh, bshr)
    ids2 = script_ids.astype(jnp.int32).T.reshape(1, N)
    shift = _sc_expand_kernel()(ids2.reshape(N), tsh)
    proj, scale = _tc_expand(ids2, family_embed, retroflex_bias, W1, b1r,
                             W2, b2r, Ws, bsr, Wsh, bshr)
    tr3 = lambda x: jnp.transpose(x, (1, 0, 2))
    tr2 = lambda x: jnp.transpose(x.reshape(L, B, ENC), (1, 0, 2))
    return (tr3(proj), tr3(scale), tr2(shift))

# --- scband reference (transcript-rebuilt; emitter-appended) ---
"""Pipeline reference for scband-script-family-adapter-54004918780619 (READ-ONLY COPY).

The authoritative reference and input builder live on the scoring server;
editing this copy changes nothing except your own understanding.
"""

import jax, jax.numpy as jnp
import numpy as np

N_FAM = 12
SED = 32
ENC = 128
B, L = 16384, 20

def _build_retroflex_bias():
    bias = np.zeros((N_FAM, SED), dtype=np.float32)
    retroflex_families = [0, 5, 6, 7, 8, 4, 1, 2]  # DEVANAGARI, TAMIL, TELUGU, KANNADA, MALAYALAM, ORIYA, BENGALI, GURMUKHI
    for f in retroflex_families:
        bias[f, :8] = 0.5
    return jnp.asarray(bias)

def setup_inputs(seed: int = 0) -> dict:
    key = jax.random.key(seed)
    ks = jax.random.split(key, 8)
    script_ids = jax.random.randint(ks[0], (B, L), 0, N_FAM)
    family_embed = jax.random.normal(ks[1], (N_FAM, SED), dtype=jnp.float32)
    retroflex_bias = _build_retroflex_bias()
    W1 = jax.random.normal(ks[2], (ENC, SED), dtype=jnp.float32) * (1.0 / np.sqrt(SED))
    b1 = jnp.zeros((ENC,), dtype=jnp.float32)
    W2 = jax.random.normal(ks[3], (ENC, ENC), dtype=jnp.float32) * (1.0 / np.sqrt(ENC))
    b2 = jnp.zeros((ENC,), dtype=jnp.float32)
    # adaln_scale: weight zeros, bias ones; adaln_shift: weight zeros, bias zeros (per module init)
    Ws = jnp.zeros((ENC, ENC), dtype=jnp.float32)
    bs = jnp.ones((ENC,), dtype=jnp.float32)
    Wsh = jnp.zeros((ENC, ENC), dtype=jnp.float32)
    bsh = jnp.zeros((ENC,), dtype=jnp.float32)
    return {"script_ids": script_ids, "family_embed": family_embed, "retroflex_bias": retroflex_bias,
            "W1": W1, "b1": b1, "W2": W2, "b2": b2, "Ws": Ws, "bs": bs, "Wsh": Wsh, "bsh": bsh}

def reference(script_ids, family_embed, retroflex_bias, W1, b1, W2, b2, Ws, bs, Wsh, bsh):
    # raw = embedding lookup + buffer gather
    raw = jnp.take(family_embed, script_ids, axis=0) + jnp.take(retroflex_bias, script_ids, axis=0)
    # proj: Linear -> SiLU -> Linear
    h = raw @ W1.T + b1
    h = h * jax.nn.sigmoid(h)
    projected = h @ W2.T + b2
    scale = projected @ Ws.T + bs
    shift = projected @ Wsh.T + bsh
    return (projected, scale, shift)

if __name__ == "__main__":
    import jax
    _d = setup_inputs()
    print(jax.jit(kernel)(*tuple(_d.values())))

</pallas_src>

<mosaic_0001>
#map = affine_map<(d0, d1) -> (0)>
#map1 = affine_map<(d0, d1) -> (0, 0)>
module attributes {stable_mosaic.version = 14 : i64} {
  func.func @_sc_expand_body(%arg0: i32, %arg1: i32, %arg2: memref<327680xi32, #tpu.memory_space<hbm>>, %arg3: memref<12x128xf32, #tpu.memory_space<hbm>>, %arg4: memref<327680x128xf32, #tpu.memory_space<hbm>>, %arg5: memref<10240xi32, #tpu.memory_space<vmem>>, %arg6: memref<12x128xf32, #tpu.memory_space<vmem_shared>>, %arg7: memref<128x128xf32, #tpu.memory_space<vmem>>, %arg8: memref<128x128xf32, #tpu.memory_space<vmem>>, %arg9: memref<!tpu.dma_semaphore, #tpu.memory_space<semaphore_mem>>, %arg10: memref<!tpu.dma_semaphore, #tpu.memory_space<semaphore_mem>>) attributes {dimension_semantics = [#tpu.dimension_semantics<core_parallel>, #tpu.dimension_semantics<subcore_parallel>], iteration_bounds = array<i64: 2, 16>, scalar_prefetch = 0 : i64, scratch_operands = 6 : i64, tpu.core_type = #tpu.core_type<sc_vector_subcore>, window_params = [{transform_indices = #map}, {transform_indices = #map1}, {transform_indices = #map1}]} {
    %mul3A = arith.constant 2 : i32
    %mul3A_0 = arith.muli %arg1, %mul3A : i32
    %add3A = arith.addi %mul3A_0, %arg0 : i32
    %mul3A_1 = arith.constant 10240 : i32
    %mul3A_2 = arith.muli %add3A, %mul3A_1 : i32
    "tpu.region"() ({
      %run_scoped3A = tpu.sem_alloc : memref<!tpu.dma_semaphore, #tpu.memory_space<semaphore_mem>>
      %dma_start3A_19 = tpu.memref_slice %arg2[%mul3A_2] : memref<327680xi32, #tpu.memory_space<hbm>> -> memref<10240xi32, #tpu.memory_space<hbm>>
      %dma_start3A_20 = tpu.memref_slice %arg2[%mul3A_2] : memref<327680xi32, #tpu.memory_space<hbm>> -> memref<10240xi32, #tpu.memory_space<hbm>>
      tpu.enqueue_dma source(%dma_start3A_20 : memref<10240xi32, #tpu.memory_space<hbm>>) target(%arg5 : memref<10240xi32, #tpu.memory_space<vmem>>) target_semaphore(%run_scoped3A : memref<!tpu.dma_semaphore, #tpu.memory_space<semaphore_mem>>)
      %dma_wait3A_21 = tpu.memref_slice %arg2[%mul3A_2] : memref<327680xi32, #tpu.memory_space<hbm>> -> memref<10240xi32, #tpu.memory_space<hbm>>
      %dma_wait3A_22 = tpu.memref_slice %arg2[%mul3A_2] : memref<327680xi32, #tpu.memory_space<hbm>> -> memref<10240xi32, #tpu.memory_space<hbm>>
      tpu.wait_dma2 semaphore(%run_scoped3A : memref<!tpu.dma_semaphore, #tpu.memory_space<semaphore_mem>>) src(%dma_wait3A_22 : memref<10240xi32, #tpu.memory_space<hbm>>) dst(%arg5 : memref<10240xi32, #tpu.memory_space<vmem>>)
      tpu.yield
    }) : () -> ()
    %eq3A = arith.constant 0 : i32
    %eq3A_3 = arith.cmpi eq, %arg1, %eq3A : i32
    %convert_element_type3A = arith.extui %eq3A_3 : i1 to i32
    %cond3A = arith.constant 0 : i32
    %cond3A_4 = arith.cmpi ne, %convert_element_type3A, %cond3A : i32
    scf.if %cond3A_4 {
      "tpu.region"() ({
        %run_scoped3A = tpu.sem_alloc : memref<!tpu.dma_semaphore, #tpu.memory_space<semaphore_mem>>
        tpu.enqueue_dma source(%arg3 : memref<12x128xf32, #tpu.memory_space<hbm>>) target(%arg6 : memref<12x128xf32, #tpu.memory_space<vmem_shared>>) target_semaphore(%run_scoped3A : memref<!tpu.dma_semaphore, #tpu.memory_space<semaphore_mem>>)
        tpu.wait_dma2 semaphore(%run_scoped3A : memref<!tpu.dma_semaphore, #tpu.memory_space<semaphore_mem>>) src(%arg3 : memref<12x128xf32, #tpu.memory_space<hbm>>) dst(%arg6 : memref<12x128xf32, #tpu.memory_space<vmem_shared>>)
        tpu.yield
      }) : () -> ()
    } else {
    }
    %barrier3A = arith.constant 0 : index
    tpu.barrier barrier_id(%barrier3A)
    %dma_start3A = arith.constant 0 : i32
    %dma_start3A_5 = tpu.memref_slice %arg5[%dma_start3A] : memref<10240xi32, #tpu.memory_space<vmem>> -> memref<128xi32, #tpu.memory_space<vmem>>
    %dma_start3A_6 = arith.constant 0 : i32
    %dma_start3A_7 = arith.constant 0 : i32
    %dma_start3A_8 = tpu.memref_slice %arg6[%dma_start3A_6, %dma_start3A_7] : memref<12x128xf32, #tpu.memory_space<vmem_shared>> -> memref<12x128xf32, #tpu.memory_space<vmem_shared>>
    tpu.enqueue_indirect_dma source(%dma_start3A_8 : memref<12x128xf32, #tpu.memory_space<vmem_shared>>) target(%arg7 : memref<128x128xf32, #tpu.memory_space<vmem>>) offsets(%dma_start3A_5 : memref<128xi32, #tpu.memory_space<vmem>>) semaphore(%arg9 : memref<!tpu.dma_semaphore, #tpu.memory_space<semaphore_mem>>)
    %dma_wait3A = arith.constant 0 : i32
    %dma_wait3A_9 = tpu.memref_slice %arg5[%dma_wait3A] : memref<10240xi32, #tpu.memory_space<vmem>> -> memref<128xi32, #tpu.memory_space<vmem>>
    %dma_wait3A_10 = arith.constant 0 : i32
    %dma_wait3A_11 = arith.constant 0 : i32
    %dma_wait3A_12 = tpu.memref_slice %arg6[%dma_wait3A_10, %dma_wait3A_11] : memref<12x128xf32, #tpu.memory_space<vmem_shared>> -> memref<12x128xf32, #tpu.memory_space<vmem_shared>>
    tpu.wait_indirect_dma semaphore(%arg9 : memref<!tpu.dma_semaphore, #tpu.memory_space<semaphore_mem>>) src(%dma_wait3A_12 : memref<12x128xf32, #tpu.memory_space<vmem_shared>>) dst(%arg7 : memref<128x128xf32, #tpu.memory_space<vmem>>)
    %scan3A = arith.constant 0 : i32
    %scan3A_13 = arith.constant 0 : i32
    %scan3A_14 = arith.constant 40 : i32
    %scan3A_15 = arith.addi %scan3A_13, %scan3A_14 : i32
    %scan3A_16 = arith.constant 1 : i32
    %scan3A_17 = scf.for %scan3A_19 = %scan3A_13 to %scan3A_15 step %scan3A_16 iter_args(%scan3A_20 = %scan3A) -> (i32)  : i32 {
      %mul3A_21 = arith.constant 2 : i32
      %mul3A_22 = arith.muli %mul3A_21, %scan3A_19 : i32
      %add3A_23 = arith.constant 1 : i32
      %add3A_24 = arith.addi %mul3A_22, %add3A_23 : i32
      %mul3A_25 = arith.constant 128 : i32
      %mul3A_26 = arith.muli %add3A_24, %mul3A_25 : i32
      %dma_start3A_27 = tpu.memref_slice %arg5[%mul3A_26] : memref<10240xi32, #tpu.memory_space<vmem>> -> memref<128xi32, #tpu.memory_space<vmem>>
      %dma_start3A_28 = arith.constant 0 : i32
      %dma_start3A_29 = arith.constant 0 : i32
      %dma_start3A_30 = tpu.memref_slice %arg6[%dma_start3A_28, %dma_start3A_29] : memref<12x128xf32, #tpu.memory_space<vmem_shared>> -> memref<12x128xf32, #tpu.memory_space<vmem_shared>>
      tpu.enqueue_indirect_dma source(%dma_start3A_30 : memref<12x128xf32, #tpu.memory_space<vmem_shared>>) target(%arg8 : memref<128x128xf32, #tpu.memory_space<vmem>>) offsets(%dma_start3A_27 : memref<128xi32, #tpu.memory_space<vmem>>) semaphore(%arg9 : memref<!tpu.dma_semaphore, #tpu.memory_space<semaphore_mem>>)
      %mul3A_31 = arith.constant 2 : i32
      %mul3A_32 = arith.muli %mul3A_31, %scan3A_19 : i32
      %mul3A_33 = arith.constant 128 : i32
      %mul3A_34 = arith.muli %mul3A_32, %mul3A_33 : i32
      %add3A_35 = arith.addi %mul3A_2, %mul3A_34 : i32
      %dma_start3A_36 = arith.constant 0 : i32
      %dma_start3A_37 = tpu.memref_slice %arg4[%add3A_35, %dma_start3A_36] : memref<327680x128xf32, #tpu.memory_space<hbm>> -> memref<128x128xf32, #tpu.memory_space<hbm>>
      %dma_start3A_38 = arith.constant 0 : i32
      %dma_start3A_39 = tpu.memref_slice %arg4[%add3A_35, %dma_start3A_38] : memref<327680x128xf32, #tpu.memory_space<hbm>> -> memref<128x128xf32, #tpu.memory_space<hbm>>
      tpu.enqueue_dma source(%arg7 : memref<128x128xf32, #tpu.memory_space<vmem>>) target(%dma_start3A_39 : memref<128x128xf32, #tpu.memory_space<hbm>>) target_semaphore(%arg10 : memref<!tpu.dma_semaphore, #tpu.memory_space<semaphore_mem>>)
      %dma_wait3A_40 = arith.constant 0 : i32
      %dma_wait3A_41 = tpu.memref_slice %arg4[%add3A_35, %dma_wait3A_40] : memref<327680x128xf32, #tpu.memory_space<hbm>> -> memref<128x128xf32, #tpu.memory_space<hbm>>
      %dma_wait3A_42 = arith.constant 0 : i32
      %dma_wait3A_43 = tpu.memref_slice %arg4[%add3A_35, %dma_wait3A_42] : memref<327680x128xf32, #tpu.memory_space<hbm>> -> memref<128x128xf32, #tpu.memory_space<hbm>>
      tpu.wait_dma2 semaphore(%arg10 : memref<!tpu.dma_semaphore, #tpu.memory_space<semaphore_mem>>) src(%arg7 : memref<128x128xf32, #tpu.memory_space<vmem>>) dst(%dma_wait3A_43 : memref<128x128xf32, #tpu.memory_space<hbm>>)
      %dma_wait3A_44 = tpu.memref_slice %arg5[%mul3A_26] : memref<10240xi32, #tpu.memory_space<vmem>> -> memref<128xi32, #tpu.memory_space<vmem>>
      %dma_wait3A_45 = arith.constant 0 : i32
      %dma_wait3A_46 = arith.constant 0 : i32
      %dma_wait3A_47 = tpu.memref_slice %arg6[%dma_wait3A_45, %dma_wait3A_46] : memref<12x128xf32, #tpu.memory_space<vmem_shared>> -> memref<12x128xf32, #tpu.memory_space<vmem_shared>>
      tpu.wait_indirect_dma semaphore(%arg9 : memref<!tpu.dma_semaphore, #tpu.memory_space<semaphore_mem>>) src(%dma_wait3A_47 : memref<12x128xf32, #tpu.memory_space<vmem_shared>>) dst(%arg8 : memref<128x128xf32, #tpu.memory_space<vmem>>)
      %mul3A_48 = arith.constant 2 : i32
      %mul3A_49 = arith.muli %mul3A_48, %scan3A_19 : i32
      %add3A_50 = arith.constant 1 : i32
      %add3A_51 = arith.addi %mul3A_49, %add3A_50 : i32
      %mul3A_52 = arith.constant 128 : i32
      %mul3A_53 = arith.muli %add3A_51, %mul3A_52 : i32
      %add3A_54 = arith.addi %mul3A_2, %mul3A_53 : i32
      %dma_start3A_55 = arith.constant 0 : i32
      %dma_start3A_56 = tpu.memref_slice %arg4[%add3A_54, %dma_start3A_55] : memref<327680x128xf32, #tpu.memory_space<hbm>> -> memref<128x128xf32, #tpu.memory_space<hbm>>
      %dma_start3A_57 = arith.constant 0 : i32
      %dma_start3A_58 = tpu.memref_slice %arg4[%add3A_54, %dma_start3A_57] : memref<327680x128xf32, #tpu.memory_space<hbm>> -> memref<128x128xf32, #tpu.memory_space<hbm>>
      tpu.enqueue_dma source(%arg8 : memref<128x128xf32, #tpu.memory_space<vmem>>) target(%dma_start3A_58 : memref<128x128xf32, #tpu.memory_space<hbm>>) target_semaphore(%arg10 : memref<!tpu.dma_semaphore, #tpu.memory_space<semaphore_mem>>)
      %add3A_59 = arith.constant 1 : i32
      %add3A_60 = arith.addi %scan3A_19, %add3A_59 : i32
      %lt3A = arith.constant 40 : i32
      %lt3A_61 = arith.cmpi slt, %add3A_60, %lt3A : i32
      %convert_element_type3A_62 = arith.extui %lt3A_61 : i1 to i32
      %cond3A_63 = arith.constant 0 : i32
      %cond3A_64 = arith.cmpi ne, %convert_element_type3A_62, %cond3A_63 : i32
      scf.if %cond3A_64 {
        %add3A_70 = arith.constant 1 : i32
        %add3A_71 = arith.addi %scan3A_19, %add3A_70 : i32
        %mul3A_72 = arith.constant 2 : i32
        %mul3A_73 = arith.muli %mul3A_72, %add3A_71 : i32
        %mul3A_74 = arith.constant 128 : i32
        %mul3A_75 = arith.muli %mul3A_73, %mul3A_74 : i32
        %dma_start3A_76 = tpu.memref_slice %arg5[%mul3A_75] : memref<10240xi32, #tpu.memory_space<vmem>> -> memref<128xi32, #tpu.memory_space<vmem>>
        %dma_start3A_77 = arith.constant 0 : i32
        %dma_start3A_78 = arith.constant 0 : i32
        %dma_start3A_79 = tpu.memref_slice %arg6[%dma_start3A_77, %dma_start3A_78] : memref<12x128xf32, #tpu.memory_space<vmem_shared>> -> memref<12x128xf32, #tpu.memory_space<vmem_shared>>
        tpu.enqueue_indirect_dma source(%dma_start3A_79 : memref<12x128xf32, #tpu.memory_space<vmem_shared>>) target(%arg7 : memref<128x128xf32, #tpu.memory_space<vmem>>) offsets(%dma_start3A_76 : memref<128xi32, #tpu.memory_space<vmem>>) semaphore(%arg9 : memref<!tpu.dma_semaphore, #tpu.memory_space<semaphore_mem>>)
        %dma_wait3A_80 = tpu.memref_slice %arg5[%mul3A_75] : memref<10240xi32, #tpu.memory_space<vmem>> -> memref<128xi32, #tpu.memory_space<vmem>>
        %dma_wait3A_81 = arith.constant 0 : i32
        %dma_wait3A_82 = arith.constant 0 : i32
        %dma_wait3A_83 = tpu.memref_slice %arg6[%dma_wait3A_81, %dma_wait3A_82] : memref<12x128xf32, #tpu.memory_space<vmem_shared>> -> memref<12x128xf32, #tpu.memory_space<vmem_shared>>
        tpu.wait_indirect_dma semaphore(%arg9 : memref<!tpu.dma_semaphore, #tpu.memory_space<semaphore_mem>>) src(%dma_wait3A_83 : memref<12x128xf32, #tpu.memory_space<vmem_shared>>) dst(%arg7 : memref<128x128xf32, #tpu.memory_space<vmem>>)
      } else {
      }
      %dma_wait3A_65 = arith.constant 0 : i32
      %dma_wait3A_66 = tpu.memref_slice %arg4[%add3A_54, %dma_wait3A_65] : memref<327680x128xf32, #tpu.memory_space<hbm>> -> memref<128x128xf32, #tpu.memory_space<hbm>>
      %dma_wait3A_67 = arith.constant 0 : i32
      %dma_wait3A_68 = tpu.memref_slice %arg4[%add3A_54, %dma_wait3A_67] : memref<327680x128xf32, #tpu.memory_space<hbm>> -> memref<128x128xf32, #tpu.memory_space<hbm>>
      tpu.wait_dma2 semaphore(%arg10 : memref<!tpu.dma_semaphore, #tpu.memory_space<semaphore_mem>>) src(%arg8 : memref<128x128xf32, #tpu.memory_space<vmem>>) dst(%dma_wait3A_68 : memref<128x128xf32, #tpu.memory_space<hbm>>)
      %scan3A_69 = arith.constant 0 : i32
      scf.yield %scan3A_69 : i32
    }
    %scan3A_18 = arith.constant 40 : i32
    return
  }
}

module attributes {stable_mosaic.version = 14 : i64} {
  func.func @_tables_body(%arg0: memref<12x32xf32, #tpu.memory_space<vmem>>, %arg1: memref<12x32xf32, #tpu.memory_space<vmem>>, %arg2: memref<128x32xf32, #tpu.memory_space<vmem>>, %arg3: memref<1x128xf32, #tpu.memory_space<vmem>>, %arg4: memref<128x128xf32, #tpu.memory_space<vmem>>, %arg5: memref<1x128xf32, #tpu.memory_space<vmem>>, %arg6: memref<128x128xf32, #tpu.memory_space<vmem>>, %arg7: memref<1x128xf32, #tpu.memory_space<vmem>>, %arg8: memref<128x128xf32, #tpu.memory_space<vmem>>, %arg9: memref<1x128xf32, #tpu.memory_space<vmem>>, %arg10: memref<12x128xf32, #tpu.memory_space<vmem>>) attributes {dimension_semantics = [], scalar_prefetch = 0 : i64, scratch_operands = 0 : i64, tpu.core_type = #tpu.core_type<tc>} {
    %get3A = arith.constant 0 : index
    %get3A_0 = arith.constant 0 : index
    %get3A_1 = vector.load %arg0[%get3A, %get3A_0] : memref<12x32xf32, #tpu.memory_space<vmem>>, vector<12x32xf32>
    %get3A_2 = arith.constant 0 : index
    %get3A_3 = arith.constant 0 : index
    %get3A_4 = vector.load %arg1[%get3A_2, %get3A_3] : memref<12x32xf32, #tpu.memory_space<vmem>>, vector<12x32xf32>
    %add3A = arith.addf %get3A_1, %get3A_4 : vector<12x32xf32>
    %get3A_5 = arith.constant 0 : index
    %get3A_6 = arith.constant 0 : index
    %get3A_7 = vector.load %arg2[%get3A_5, %get3A_6] : memref<128x32xf32, #tpu.memory_space<vmem>>, vector<128x32xf32>
    %dot_general3A = arith.constant dense<0.000000e+00> : vector<12x128xf32>
    %dot_general3A_8 = tpu.matmul %add3A, %get3A_7, %dot_general3A {dimension_numbers = #tpu.dot_dimension_numbers<[1], [1], [0], [0], [0, 0, 1, 0], [], []>, transpose_lhs_hint = false} : vector<12x32xf32>, vector<128x32xf32>, vector<12x128xf32> -> vector<12x128xf32>
    %get3A_9 = arith.constant 0 : index
    %get3A_10 = arith.constant 0 : index
    %get3A_11 = vector.load %arg3[%get3A_9, %get3A_10] : memref<1x128xf32, #tpu.memory_space<vmem>>, vector<1x128xf32>
    %add3A_12 = vector.broadcast %get3A_11 : vector<1x128xf32> to vector<12x128xf32>
    %add3A_13 = arith.addf %dot_general3A_8, %add3A_12 : vector<12x128xf32>
    %logistic3A = arith.negf %add3A_13 : vector<12x128xf32>
    %logistic3A_14 = math.exp %logistic3A : vector<12x128xf32>
    %logistic3A_15 = arith.constant 1.000000e+00 : f32
    %logistic3A_16 = vector.broadcast %logistic3A_15 : f32 to vector<12x128xf32>
    %logistic3A_17 = arith.addf %logistic3A_16, %logistic3A_14 : vector<12x128xf32>
    %logistic3A_18 = arith.divf %logistic3A_16, %logistic3A_17 : vector<12x128xf32>
    %mul3A = arith.mulf %add3A_13, %logistic3A_18 : vector<12x128xf32>
    %get3A_19 = arith.constant 0 : index
    %get3A_20 = arith.constant 0 : index
    %get3A_21 = vector.load %arg4[%get3A_19, %get3A_20] : memref<128x128xf32, #tpu.memory_space<vmem>>, vector<128x128xf32>
    %dot_general3A_22 = arith.constant dense<0.000000e+00> : vector<12x128xf32>
    %dot_general3A_23 = tpu.matmul %mul3A, %get3A_21, %dot_general3A_22 {dimension_numbers = #tpu.dot_dimension_numbers<[1], [1], [0], [0], [0, 0, 1, 0], [], []>, transpose_lhs_hint = false} : vector<12x128xf32>, vector<128x128xf32>, vector<12x128xf32> -> vector<12x128xf32>
    %get3A_24 = arith.constant 0 : index
    %get3A_25 = arith.constant 0 : index
    %get3A_26 = vector.load %arg5[%get3A_24, %get3A_25] : memref<1x128xf32, #tpu.memory_space<vmem>>, vector<1x128xf32>
    %add3A_27 = vector.broadcast %get3A_26 : vector<1x128xf32> to vector<12x128xf32>
    %add3A_28 = arith.addf %dot_general3A_23, %add3A_27 : vector<12x128xf32>
    %get3A_29 = arith.constant 0 : index
    %get3A_30 = arith.constant 0 : index
    %get3A_31 = vector.load %arg8[%get3A_29, %get3A_30] : memref<128x128xf32, #tpu.memory_space<vmem>>, vector<128x128xf32>
    %dot_general3A_32 = arith.constant dense<0.000000e+00> : vector<12x128xf32>
    %dot_general3A_33 = tpu.matmul %add3A_28, %get3A_31, %dot_general3A_32 {dimension_numbers = #tpu.dot_dimension_numbers<[1], [1], [0], [0], [0, 0, 1, 0], [], []>, transpose_lhs_hint = false} : vector<12x128xf32>, vector<128x128xf32>, vector<12x128xf32> -> vector<12x128xf32>
    %get3A_34 = arith.constant 0 : index
    %get3A_35 = arith.constant 0 : index
    %get3A_36 = vector.load %arg9[%get3A_34, %get3A_35] : memref<1x128xf32, #tpu.memory_space<vmem>>, vector<1x128xf32>
    %add3A_37 = vector.broadcast %get3A_36 : vector<1x128xf32> to vector<12x128xf32>
    %add3A_38 = arith.addf %dot_general3A_33, %add3A_37 : vector<12x128xf32>
    %swap3A = arith.constant 0 : index
    %swap3A_39 = arith.constant 0 : index
    %swap3A_40 = vector.load %arg10[%swap3A, %swap3A_39] : memref<12x128xf32, #tpu.memory_space<vmem>>, vector<12x128xf32>
    tpu.vector_store %arg10[%swap3A, %swap3A_39], %add3A_38 {strides = array<i32>} : memref<12x128xf32, #tpu.memory_space<vmem>>, vector<12x128xf32>,
    return
  }
}

module attributes {stable_mosaic.version = 14 : i64} {
  func.func @_expand_body(%arg0: i32, %arg1: memref<1x8192xi32, #tpu.memory_space<vmem>>, %arg2: memref<12x32xf32, #tpu.memory_space<vmem>>, %arg3: memref<12x32xf32, #tpu.memory_space<vmem>>, %arg4: memref<128x32xf32, #tpu.memory_space<vmem>>, %arg5: memref<1x128xf32, #tpu.memory_space<vmem>>, %arg6: memref<128x128xf32, #tpu.memory_space<vmem>>, %arg7: memref<1x128xf32, #tpu.memory_space<vmem>>, %arg8: memref<128x128xf32, #tpu.memory_space<vmem>>, %arg9: memref<1x128xf32, #tpu.memory_space<vmem>>, %arg10: memref<128x128xf32, #tpu.memory_space<vmem>>, %arg11: memref<1x128xf32, #tpu.memory_space<vmem>>, %arg12: memref<1x8192x128xf32, #tpu.memory_space<vmem>>, %arg13: memref<1x8192x128xf32, #tpu.memory_space<vmem>>) attributes {dimension_semantics = [#tpu.dimension_semantics<parallel>], iteration_bounds = array<i64: 40>, scalar_prefetch = 0 : i64, scratch_operands = 0 : i64, tpu.core_type = #tpu.core_type<tc>, window_params = [{transform_indices = @transform_0, window_bounds = array<i64: 1, 8192>}, {pipeline_mode = #tpu.pipeline_mode<synchronous>, transform_indices = @transform_1, window_bounds = array<i64: 12, 32>}, {pipeline_mode = #tpu.pipeline_mode<synchronous>, transform_indices = @transform_2, window_bounds = array<i64: 12, 32>}, {pipeline_mode = #tpu.pipeline_mode<synchronous>, transform_indices = @transform_3, window_bounds = array<i64: 128, 32>}, {pipeline_mode = #tpu.pipeline_mode<synchronous>, transform_indices = @transform_4, window_bounds = array<i64: 1, 128>}, {pipeline_mode = #tpu.pipeline_mode<synchronous>, transform_indices = @transform_5, window_bounds = array<i64: 128, 128>}, {pipeline_mode = #tpu.pipeline_mode<synchronous>, transform_indices = @transform_6, window_bounds = array<i64: 1, 128>}, {pipeline_mode = #tpu.pipeline_mode<synchronous>, transform_indices = @transform_7, window_bounds = array<i64: 128, 128>}, {pipeline_mode = #tpu.pipeline_mode<synchronous>, transform_indices = @transform_8, window_bounds = array<i64: 1, 128>}, {pipeline_mode = #tpu.pipeline_mode<synchronous>, transform_indices = @transform_9, window_bounds = array<i64: 128, 128>}, {pipeline_mode = #tpu.pipeline_mode<synchronous>, transform_indices = @transform_10, window_bounds = array<i64: 1, 128>}, {transform_indices = @transform_11, window_bounds = array<i64: 1, 8192, 128>}, {transform_indices = @transform_12, window_bounds = array<i64: 1, 8192, 128>}]} {
    %get3A = arith.constant 0 : index
    %get3A_0 = arith.constant 0 : index
    %get3A_1 = vector.load %arg2[%get3A, %get3A_0] : memref<12x32xf32, #tpu.memory_space<vmem>>, vector<12x32xf32>
    %get3A_2 = arith.constant 0 : index
    %get3A_3 = arith.constant 0 : index
    %get3A_4 = vector.load %arg3[%get3A_2, %get3A_3] : memref<12x32xf32, #tpu.memory_space<vmem>>, vector<12x32xf32>
    %add3A = arith.addf %get3A_1, %get3A_4 : vector<12x32xf32>
    %get3A_5 = arith.constant 0 : index
    %get3A_6 = arith.constant 0 : index
    %get3A_7 = vector.load %arg4[%get3A_5, %get3A_6] : memref<128x32xf32, #tpu.memory_space<vmem>>, vector<128x32xf32>
    %dot_general3A = arith.constant dense<0.000000e+00> : vector<12x128xf32>
    %dot_general3A_8 = tpu.matmul %add3A, %get3A_7, %dot_general3A {dimension_numbers = #tpu.dot_dimension_numbers<[1], [1], [0], [0], [0, 0, 1, 0], [], []>, transpose_lhs_hint = false} : vector<12x32xf32>, vector<128x32xf32>, vector<12x128xf32> -> vector<12x128xf32>
    %get3A_9 = arith.constant 0 : index
    %get3A_10 = arith.constant 0 : index
    %get3A_11 = vector.load %arg5[%get3A_9, %get3A_10] : memref<1x128xf32, #tpu.memory_space<vmem>>, vector<1x128xf32>
    %add3A_12 = vector.broadcast %get3A_11 : vector<1x128xf32> to vector<12x128xf32>
    %add3A_13 = arith.addf %dot_general3A_8, %add3A_12 : vector<12x128xf32>
    %logistic3A = arith.negf %add3A_13 : vector<12x128xf32>
    %logistic3A_14 = math.exp %logistic3A : vector<12x128xf32>
    %logistic3A_15 = arith.constant 1.000000e+00 : f32
    %logistic3A_16 = vector.broadcast %logistic3A_15 : f32 to vector<12x128xf32>
    %logistic3A_17 = arith.addf %logistic3A_16, %logistic3A_14 : vector<12x128xf32>
    %logistic3A_18 = arith.divf %logistic3A_16, %logistic3A_17 : vector<12x128xf32>
    %mul3A = arith.mulf %add3A_13, %logistic3A_18 : vector<12x128xf32>
    %get3A_19 = arith.constant 0 : index
    %get3A_20 = arith.constant 0 : index
    %get3A_21 = vector.load %arg6[%get3A_19, %get3A_20] : memref<128x128xf32, #tpu.memory_space<vmem>>, vector<128x128xf32>
    %dot_general3A_22 = arith.constant dense<0.000000e+00> : vector<12x128xf32>
    %dot_general3A_23 = tpu.matmul %mul3A, %get3A_21, %dot_general3A_22 {dimension_numbers = #tpu.dot_dimension_numbers<[1], [1], [0], [0], [0, 0, 1, 0], [], []>, transpose_lhs_hint = false} : vector<12x128xf32>, vector<128x128xf32>, vector<12x128xf32> -> vector<12x128xf32>
    %get3A_24 = arith.constant 0 : index
    %get3A_25 = arith.constant 0 : index
    %get3A_26 = vector.load %arg7[%get3A_24, %get3A_25] : memref<1x128xf32, #tpu.memory_space<vmem>>, vector<1x128xf32>
    %add3A_27 = vector.broadcast %get3A_26 : vector<1x128xf32> to vector<12x128xf32>
    %add3A_28 = arith.addf %dot_general3A_23, %add3A_27 : vector<12x128xf32>
    %get3A_29 = arith.constant 0 : index
    %get3A_30 = arith.constant 0 : index
    %get3A_31 = vector.load %arg8[%get3A_29, %get3A_30] : memref<128x128xf32, #tpu.memory_space<vmem>>, vector<128x128xf32>
    %dot_general3A_32 = arith.constant dense<0.000000e+00> : vector<12x128xf32>
    %dot_general3A_33 = tpu.matmul %add3A_28, %get3A_31, %dot_general3A_32 {dimension_numbers = #tpu.dot_dimension_numbers<[1], [1], [0], [0], [0, 0, 1, 0], [], []>, transpose_lhs_hint = false} : vector<12x128xf32>, vector<128x128xf32>, vector<12x128xf32> -> vector<12x128xf32>
    %get3A_34 = arith.constant 0 : index
    %get3A_35 = arith.constant 0 : index
    %get3A_36 = vector.load %arg9[%get3A_34, %get3A_35] : memref<1x128xf32, #tpu.memory_space<vmem>>, vector<1x128xf32>
    %add3A_37 = vector.broadcast %get3A_36 : vector<1x128xf32> to vector<12x128xf32>
    %add3A_38 = arith.addf %dot_general3A_33, %add3A_37 : vector<12x128xf32>
    %concatenate3A = tpu.concatenate %add3A_28, %add3A_38 in 1 : vector<12x128xf32>, vector<12x128xf32> -> vector<12x256xf32>
    %get3A_39 = arith.constant 0 : index
    %get3A_40 = arith.constant 0 : index
    %get3A_41 = vector.load %arg1[%get3A_39, %get3A_40] : memref<1x8192xi32, #tpu.memory_space<vmem>>, vector<1x8192xi32>
    %iota3A = tpu.iota {dimensions = array<i32: 0>} : vector<12x8192xi32>
    %eq3A = vector.broadcast %get3A_41 : vector<1x8192xi32> to vector<12x8192xi32>
    %eq3A_42 = arith.cmpi eq, %eq3A, %iota3A : vector<12x8192xi32>
    %jit3A = arith.constant 1.000000e+00 : f32
    %jit3A_43 = arith.constant 0.000000e+00 : f32
    %broadcast_in_dim3A = vector.broadcast %jit3A : f32 to vector<12x8192xf32>
    %broadcast_in_dim3A_44 = vector.broadcast %jit3A_43 : f32 to vector<12x8192xf32>
    %select_n3A = arith.select %eq3A_42, %broadcast_in_dim3A, %broadcast_in_dim3A_44 : vector<12x8192xi1>, vector<12x8192xf32>
    %dot_general3A_45 = arith.constant dense<0.000000e+00> : vector<8192x256xf32>
    %dot_general3A_46 = tpu.matmul %select_n3A, %concatenate3A, %dot_general3A_45 {dimension_numbers = #tpu.dot_dimension_numbers<[0], [0], [1], [1], [0, 1, 1, 1], [], []>, transpose_lhs_hint = false} : vector<12x8192xf32>, vector<12x256xf32>, vector<8192x256xf32> -> vector<8192x256xf32>
    %slice3A = vector.extract_strided_slice %dot_general3A_46 {offsets = [0, 0], sizes = [8192, 128], strides = [1, 1]} : vector<8192x256xf32> to vector<8192x128xf32>
    %reshape3A = vector.shape_cast %slice3A : vector<8192x128xf32> to vector<1x8192x128xf32>
    %swap3A = arith.constant 0 : index
    %swap3A_47 = arith.constant 0 : index
    %swap3A_48 = arith.constant 0 : index
    %swap3A_49 = vector.load %arg12[%swap3A, %swap3A_47, %swap3A_48] : memref<1x8192x128xf32, #tpu.memory_space<vmem>>, vector<1x8192x128xf32>
    tpu.vector_store %arg12[%swap3A, %swap3A_47, %swap3A_48], %reshape3A {strides = array<i32>} : memref<1x8192x128xf32, #tpu.memory_space<vmem>>, vector<1x8192x128xf32>,
    %slice3A_50 = vector.extract_strided_slice %dot_general3A_46 {offsets = [0, 128], sizes = [8192, 128], strides = [1, 1]} : vector<8192x256xf32> to vector<8192x128xf32>
    %reshape3A_51 = vector.shape_cast %slice3A_50 : vector<8192x128xf32> to vector<1x8192x128xf32>
    %swap3A_52 = arith.constant 0 : index
    %swap3A_53 = arith.constant 0 : index
    %swap3A_54 = arith.constant 0 : index
    %swap3A_55 = vector.load %arg13[%swap3A_52, %swap3A_53, %swap3A_54] : memref<1x8192x128xf32, #tpu.memory_space<vmem>>, vector<1x8192x128xf32>
    tpu.vector_store %arg13[%swap3A_52, %swap3A_53, %swap3A_54], %reshape3A_51 {strides = array<i32>} : memref<1x8192x128xf32, #tpu.memory_space<vmem>>, vector<1x8192x128xf32>,
    return
  }
  func.func @transform_0(%arg0: i32) -> (i32, i32) {
    %c0_i32 = arith.constant 0 : i32
    %c0_i32_0 = arith.constant 0 : i32
    return %c0_i32, %arg0 : i32, i32
  }
  func.func @transform_1(%arg0: i32) -> (i32, i32) {
    %c0_i32 = arith.constant 0 : i32
    %c0_i32_0 = arith.constant 0 : i32
    %c0_i32_1 = arith.constant 0 : i32
    return %c0_i32, %c0_i32_0 : i32, i32
  }
  func.func @transform_2(%arg0: i32) -> (i32, i32) {
    %c0_i32 = arith.constant 0 : i32
    %c0_i32_0 = arith.constant 0 : i32
    %c0_i32_1 = arith.constant 0 : i32
    return %c0_i32, %c0_i32_0 : i32, i32
  }
  func.func @transform_3(%arg0: i32) -> (i32, i32) {
    %c0_i32 = arith.constant 0 : i32
    %c0_i32_0 = arith.constant 0 : i32
    %c0_i32_1 = arith.constant 0 : i32
    return %c0_i32, %c0_i32_0 : i32, i32
  }
  func.func @transform_4(%arg0: i32) -> (i32, i32) {
    %c0_i32 = arith.constant 0 : i32
    %c0_i32_0 = arith.constant 0 : i32
    %c0_i32_1 = arith.constant 0 : i32
    return %c0_i32, %c0_i32_0 : i32, i32
  }
  func.func @transform_5(%arg0: i32) -> (i32, i32) {
    %c0_i32 = arith.constant 0 : i32
    %c0_i32_0 = arith.constant 0 : i32
    %c0_i32_1 = arith.constant 0 : i32
    return %c0_i32, %c0_i32_0 : i32, i32
  }
  func.func @transform_6(%arg0: i32) -> (i32, i32) {
    %c0_i32 = arith.constant 0 : i32
    %c0_i32_0 = arith.constant 0 : i32
    %c0_i32_1 = arith.constant 0 : i32
    return %c0_i32, %c0_i32_0 : i32, i32
  }
  func.func @transform_7(%arg0: i32) -> (i32, i32) {
    %c0_i32 = arith.constant 0 : i32
    %c0_i32_0 = arith.constant 0 : i32
    %c0_i32_1 = arith.constant 0 : i32
    return %c0_i32, %c0_i32_0 : i32, i32
  }
  func.func @transform_8(%arg0: i32) -> (i32, i32) {
    %c0_i32 = arith.constant 0 : i32
    %c0_i32_0 = arith.constant 0 : i32
    %c0_i32_1 = arith.constant 0 : i32
    return %c0_i32, %c0_i32_0 : i32, i32
  }
  func.func @transform_9(%arg0: i32) -> (i32, i32) {
    %c0_i32 = arith.constant 0 : i32
    %c0_i32_0 = arith.constant 0 : i32
    %c0_i32_1 = arith.constant 0 : i32
    return %c0_i32, %c0_i32_0 : i32, i32
  }
  func.func @transform_10(%arg0: i32) -> (i32, i32) {
    %c0_i32 = arith.constant 0 : i32
    %c0_i32_0 = arith.constant 0 : i32
    %c0_i32_1 = arith.constant 0 : i32
    return %c0_i32, %c0_i32_0 : i32, i32
  }
  func.func @transform_11(%arg0: i32) -> (i32, i32, i32) {
    %jit3A = arith.constant 2 : i32
    %div3A = arith.divsi %arg0, %jit3A : i32
    %sign3A = arith.constant 0 : i32
    %sign3A_0 = arith.cmpi sgt, %arg0, %sign3A : i32
    %sign3A_1 = arith.extui %sign3A_0 : i1 to i32
    %sign3A_2 = arith.constant 0 : i32
    %sign3A_3 = arith.cmpi slt, %arg0, %sign3A_2 : i32
    %sign3A_4 = arith.extui %sign3A_3 : i1 to i32
    %sign3A_5 = arith.subi %sign3A_1, %sign3A_4 : i32
    %sign3A_6 = arith.constant 0 : i32
    %sign3A_7 = arith.cmpi sgt, %jit3A, %sign3A_6 : i32
    %sign3A_8 = arith.extui %sign3A_7 : i1 to i32
    %sign3A_9 = arith.constant 0 : i32
    %sign3A_10 = arith.cmpi slt, %jit3A, %sign3A_9 : i32
    %sign3A_11 = arith.extui %sign3A_10 : i1 to i32
    %sign3A_12 = arith.subi %sign3A_8, %sign3A_11 : i32
    %ne3A = arith.cmpi ne, %sign3A_5, %sign3A_12 : i32
    %rem3A = arith.remsi %arg0, %jit3A : i32
    %ne3A_13 = arith.constant 0 : i32
    %ne3A_14 = arith.cmpi ne, %rem3A, %ne3A_13 : i32
    %and3A = arith.andi %ne3A, %ne3A_14 : i1
    %sub3A = arith.constant 1 : i32
    %sub3A_15 = arith.subi %div3A, %sub3A : i32
    %select_n3A = arith.select %and3A, %sub3A_15, %div3A : i32
    %jit3A_16 = arith.constant 2 : i32
    %eq3A = arith.constant 0 : i32
    %eq3A_17 = arith.cmpi eq, %jit3A_16, %eq3A : i32
    %jit3A_18 = arith.constant 1 : i32
    %select_n3A_19 = arith.select %eq3A_17, %jit3A_18, %jit3A_16 : i32
    %rem3A_20 = arith.remsi %arg0, %select_n3A_19 : i32
    %ne3A_21 = arith.constant 0 : i32
    %ne3A_22 = arith.cmpi ne, %rem3A_20, %ne3A_21 : i32
    %lt3A = arith.constant 0 : i32
    %lt3A_23 = arith.cmpi slt, %rem3A_20, %lt3A : i32
    %lt3A_24 = arith.constant 0 : i32
    %lt3A_25 = arith.cmpi slt, %select_n3A_19, %lt3A_24 : i32
    %ne3A_26 = arith.xori %lt3A_23, %lt3A_25 : i1
    %and3A_27 = arith.andi %ne3A_26, %ne3A_22 : i1
    %add3A = arith.addi %rem3A_20, %select_n3A_19 : i32
    %select_n3A_28 = arith.select %and3A_27, %add3A, %rem3A_20 : i32
    %c0_i32 = arith.constant 0 : i32
    %c0_i32_29 = arith.constant 0 : i32
    return %select_n3A, %select_n3A_28, %c0_i32 : i32, i32, i32
  }
  func.func @transform_12(%arg0: i32) -> (i32, i32, i32) {
    %jit3A = arith.constant 2 : i32
    %div3A = arith.divsi %arg0, %jit3A : i32
    %sign3A = arith.constant 0 : i32
    %sign3A_0 = arith.cmpi sgt, %arg0, %sign3A : i32
    %sign3A_1 = arith.extui %sign3A_0 : i1 to i32
    %sign3A_2 = arith.constant 0 : i32
    %sign3A_3 = arith.cmpi slt, %arg0, %sign3A_2 : i32
    %sign3A_4 = arith.extui %sign3A_3 : i1 to i32
    %sign3A_5 = arith.subi %sign3A_1, %sign3A_4 : i32
    %sign3A_6 = arith.constant 0 : i32
    %sign3A_7 = arith.cmpi sgt, %jit3A, %sign3A_6 : i32
    %sign3A_8 = arith.extui %sign3A_7 : i1 to i32
    %sign3A_9 = arith.constant 0 : i32
    %sign3A_10 = arith.cmpi slt, %jit3A, %sign3A_9 : i32
    %sign3A_11 = arith.extui %sign3A_10 : i1 to i32
    %sign3A_12 = arith.subi %sign3A_8, %sign3A_11 : i32
    %ne3A = arith.cmpi ne, %sign3A_5, %sign3A_12 : i32
    %rem3A = arith.remsi %arg0, %jit3A : i32
    %ne3A_13 = arith.constant 0 : i32
    %ne3A_14 = arith.cmpi ne, %rem3A, %ne3A_13 : i32
    %and3A = arith.andi %ne3A, %ne3A_14 : i1
    %sub3A = arith.constant 1 : i32
    %sub3A_15 = arith.subi %div3A, %sub3A : i32
    %select_n3A = arith.select %and3A, %sub3A_15, %div3A : i32
    %jit3A_16 = arith.constant 2 : i32
    %eq3A = arith.constant 0 : i32
    %eq3A_17 = arith.cmpi eq, %jit3A_16, %eq3A : i32
    %jit3A_18 = arith.constant 1 : i32
    %select_n3A_19 = arith.select %eq3A_17, %jit3A_18, %jit3A_16 : i32
    %rem3A_20 = arith.remsi %arg0, %select_n3A_19 : i32
    %ne3A_21 = arith.constant 0 : i32
    %ne3A_22 = arith.cmpi ne, %rem3A_20, %ne3A_21 : i32
    %lt3A = arith.constant 0 : i32
    %lt3A_23 = arith.cmpi slt, %rem3A_20, %lt3A : i32
    %lt3A_24 = arith.constant 0 : i32
    %lt3A_25 = arith.cmpi slt, %select_n3A_19, %lt3A_24 : i32
    %ne3A_26 = arith.xori %lt3A_23, %lt3A_25 : i1
    %and3A_27 = arith.andi %ne3A_26, %ne3A_22 : i1
    %add3A = arith.addi %rem3A_20, %select_n3A_19 : i32
    %select_n3A_28 = arith.select %and3A_27, %add3A, %rem3A_20 : i32
    %c0_i32 = arith.constant 0 : i32
    %c0_i32_29 = arith.constant 0 : i32
    return %select_n3A, %select_n3A_28, %c0_i32 : i32, i32, i32
  }
}

</mosaic_0001>

<sc_bundles>
// kernel: kernel.5.cloned.1.call-start
scs
__scs_entry_jumppad:
0x0: {  	(pc) =	sbr.rel $0x88, $3  }
0x1: {  	(tag) =	ssettag $0x0;
	lr =	simm.s32 $0x1  }
0x2: {  	[smem:$0x3F96] =	sst lr;
	_ =	strace $0xD0000000  }
0x3: {  	_ = 	snop  }
0x4: {  	_ = 	snop  }
0x5: {  	_ = 	snop  }
0x6: {  	_ = 	snop  }
0x7: {  	_ = 	snop  }
__scs_overlays_trampoline_lowered:
0x8: {  	[smem:$0x3FA5] =	sst s0  }
0x9: {  	[smem:$0x3FA6] =	sst s1  }
0xa: {  	[smem:$0x3FA7] =	sst s2  }
0xb: {  	[smem:$0x3FA8] =	sst s3  }
0xc: {  	[smem:$0x3FA9] =	sst s4  }
0xd: {  	[smem:$0x3FAA] =	sst s5  }
0xe: {  	[smem:$0x3FAB] =	sst s6  }
0xf: {  	[smem:$0x3FAC] =	sst s7  }
0x10: {  	[smem:$0x3FAD] =	sst s8  }
0x11: {  	[smem:$0x3FAE] =	sst s9;
	s0 =	simm.s32 @!p0 $0x0  }
0x12: {  	s1 =	sld [smem:$0x3F94];
	s0 =	simm.s32 @p0 $0x1  }
0x13: {  	[smem:$0x3FAF] =	sst s0;
	s0 =	simm.s32 @!p1 $0x0  }
0x14: {  	s2 =	sld [smem:$0x3F93];
	s0 =	simm.s32 @p1 $0x1  }
0x15: {  	[smem:$0x3FB0] =	sst s0;
	s0 =	simm.s32 @!p2 $0x0  }
0x16: {  	s3 =	sld [smem:$0x3FDB];
	s0 =	simm.s32 @p2 $0x1  }
0x17: {  	s4 =	simm.s32 $0x1BF5;
	[smem:$0x3FB2] =	sst s0  }
0x18: {  	s0 =	sld [smem:$0x3F95];
	_ =	swait.ge [sflag:s4], $0x0  }
0x19: {  	s7 =	sld [smem:$0x3F96]  }
0x1a: {  	s8 =	sadd.s32 $0xFFFFE003, lr  }
0x1b: {  	s9 =	sadd.s32 $0xFFFFFEF7, lr;
	s5 =	simm.s32 $0xFFFFFFFF;
	p2 =	slt.u32 s8, $0xFFFFF086  }
0x1c: {  	p1 =	slt.u32 s9, $0xF7A;
	s5 =	simm.s32 @!p2 $0x0  }
0x1d: {  	s5 =	simm.s32 @p1 $0x1;
	p0 =	seq.s32 s7, s2  }
0x1e: {  	s7 =	smul.u32 @!p0 $0xF7A, s2;
	p2 =	seq.s32 @!p0 s5, $0x0  }
0x1f: {  	s9 =	smul.u32 $0xF7A, s1;
	s8 =	simm.s32 @!p0 $0x1BF5;
	p2 =	por !p2, p0  }
0x20: {  	[sflag:s8] =	ssyncset.s32 @!p0 $0xFFFFF086;
	s6 =	sadd.s32 @!p0 s3, s7;
	s7 =	simm.s32 @!p0 $0x108  }
0x21: {  	s3 =	sadd.s32 s3, s9;
	s6 =	sadd.s32 @!p0 $0x88, s6;
	s7 =	simm.s32 @p2 $0x1082  }
0x22: {  	[simem:s7], [sflag:s8] =	dma.local @!p0 [hbm:s6], $0xF7A  }
0x23: {  	s9 =	sor.u32 $0xD0000000, s2;
	s6 =	simm.s32 $0x108;
	_ =	swait.ge @!p0 [sflag:s8], $0x0  }
0x24: {  	s3 =	sadd.s32 $0x88, s3;
	s6 =	simm.s32 @!p1 $0x1082;
	[sflag:s4] =	ssyncset.s32 $0xFFFFF086  }
0x25: {  	[simem:s6], [sflag:s4] =	dma.local [hbm:s3], $0xF7A  }
0x26: {  	[smem:$0x3F96] =	sst s1;
	(tag) =	ssettag s2;
	_ =	strace s9  }
0x27: {  	s1 =	sld [smem:$0x3FA6]  }
0x28: {  	s2 =	sld [smem:$0x3FA7]  }
0x29: {  	s4 =	sld [smem:$0x3FA9]  }
0x2a: {  	p0 =	seq.s32 s5, $0x0;
	s5 =	sld [smem:$0x3FAA]  }
0x2b: {  	s6 =	sld [smem:$0x3FAB]  }
0x2c: {  	s7 =	sld [smem:$0x3FAC]  }
0x2d: {  	s3 =	simm.s32 $0x108;
	s8 =	sld [smem:$0x3FAD]  }
0x2e: {  	s3 =	simm.s32 @!p0 $0x1082;
	s9 =	sld [smem:$0x3FAE]  }
0x2f: {  	lr =	sadd.s32 s0, s3;
	s0 =	sld [smem:$0x3FA5]  }
0x30: {  	s3 =	sld [smem:$0x3FA8]  }
0x31: {  	[smem:$0x3FB1] =	sst s10  }
0x32: {  	s10 =	sld [smem:$0x3FAF];
	_ =	sdelay $0x3  }
0x33: {  	p0 =	seq.s32 s10, $0x1;
	s10 =	sld [smem:$0x3FB1];
	_ =	sdelay $0x3  }
0x34: {  	[smem:$0x3FB1] =	sst s10  }
0x35: {  	s10 =	sld [smem:$0x3FB0];
	_ =	sdelay $0x3  }
0x36: {  	p1 =	seq.s32 s10, $0x1;
	s10 =	sld [smem:$0x3FB1];
	_ =	sdelay $0x3  }
0x37: {  	[smem:$0x3FB1] =	sst s10  }
0x38: {  	s10 =	sld [smem:$0x3FB2]  }
0x39: {  	_ = 	snop;
	(pc) =	sbr.ind lr, $3  }
0x3a: {  	_ = 	snop  }
0x3b: {  	_ = 	snop  }
0x3c: {  	p2 =	seq.s32 s10, $0x1;
	s10 =	sld [smem:$0x3FB1]  }
0x3d: {  	_ =	shalt  }
0x3e: {  	_ =	shalt  }
0x3f: {  	_ =	shalt  }
0x40: {  	_ =	shalt  }
0x41: {  	_ =	shalt  }
0x42: {  	_ =	shalt  }
0x43: {  	_ =	shalt  }
0x44: {  	_ =	shalt  }
0x45: {  	_ =	shalt  }
0x46: {  	_ =	shalt  }
0x47: {  	_ =	shalt  }
0x48: {  	_ =	shalt  }
0x49: {  	_ =	shalt  }
0x4a: {  	_ =	shalt  }
0x4b: {  	_ =	shalt  }
0x4c: {  	_ =	shalt  }
0x4d: {  	_ =	shalt  }
0x4e: {  	_ =	shalt  }
0x4f: {  	_ =	shalt  }
0x50: {  	_ =	shalt  }
0x51: {  	_ =	shalt  }
0x52: {  	_ =	shalt  }
0x53: {  	_ =	shalt  }
0x54: {  	_ =	shalt  }
0x55: {  	_ =	shalt  }
0x56: {  	_ =	shalt  }
0x57: {  	_ =	shalt  }
0x58: {  	_ =	shalt  }
0x59: {  	_ =	shalt  }
0x5a: {  	_ =	shalt  }
0x5b: {  	_ =	shalt  }
0x5c: {  	_ =	shalt  }
0x5d: {  	_ =	shalt  }
0x5e: {  	_ =	shalt  }
0x5f: {  	_ =	shalt  }
0x60: {  	_ =	shalt  }
0x61: {  	_ =	shalt  }
0x62: {  	_ =	shalt  }
0x63: {  	_ =	shalt  }
0x64: {  	_ =	shalt  }
0x65: {  	_ =	shalt  }
0x66: {  	_ =	shalt  }
0x67: {  	_ =	shalt  }
0x68: {  	_ =	shalt  }
0x69: {  	_ =	shalt  }
0x6a: {  	_ =	shalt  }
0x6b: {  	_ =	shalt  }
0x6c: {  	_ =	shalt  }
0x6d: {  	_ =	shalt  }
0x6e: {  	_ =	shalt  }
0x6f: {  	_ =	shalt  }
0x70: {  	_ =	shalt  }
0x71: {  	_ =	shalt  }
0x72: {  	_ =	shalt  }
0x73: {  	_ =	shalt  }
0x74: {  	_ =	shalt  }
0x75: {  	_ =	shalt  }
0x76: {  	_ =	shalt  }
0x77: {  	_ =	shalt  }
0x78: {  	_ =	shalt  }
0x79: {  	_ =	shalt  }
0x7a: {  	_ =	shalt  }
0x7b: {  	_ =	shalt  }
0x7c: {  	_ =	shalt  }
0x7d: {  	_ =	shalt  }
0x7e: {  	_ =	shalt  }
0x7f: {  	_ =	shalt  }
0x80: {  	_ =	shalt  }
0x81: {  	_ =	shalt  }
0x82: {  	_ =	shalt  }
0x83: {  	_ =	shalt  }
0x84: {  	_ =	shalt  }
0x85: {  	_ =	shalt  }
0x86: {  	_ =	shalt  }
0x87: {  	_ =	shalt  }
.Lfunc_end0:
.L_simem_size_0:
called_computation_lowered:
.L_overlay_start_0:
0x88: {  	s2 =	sld [smem:$0x3FD9]  }
0x89: {  	s3 =	sld [smem:$0x3FFE];
	_ =	sdelay $0x1  }
0x8a: {  	s1 =	srdreg.scid  }
0x8b: {  	s0 =	sand.u32 $0x1, s1  }
0x8c: {  	s14 =	sshll.u32 s0, $0xA;
	s2 =	sadd.s32 s3, s2  }
0x8d: {  	s2 =	sadd.s32 s2, s14  }
0x8e: {  	[smem:$0x3FBD] =	sst s2  }
0x8f: {  	_ = 	snop  }
0x90: {  	s2 =	sld [smem:$0x3FD0];
	_ =	sdelay $0x2  }
0x91: {  	s15 =	simm.s32 $0xA;
	s4 =	simm.s32 $0x10  }
0x92: {  	[smem:s4], [sflag:s15] =	dma.local [hbm:s2], $0x1  }
0x93: {  	_ =	swait.eq [sflag:s15], $0x1  }
0x94: {  	[sflag:s15] =	ssyncset.done $0x0  }
0x95: {  	[sflag:s15] =	ssyncadd.s32 $0xFFFFFFFF  }
0x96: {  	s16 =	sld [smem:$0x12];
	(tm) =	ssettm $0x1  }
0x97: {  	s17 =	sld [smem:$0x3FFB];
	_ =	sdelay $0x3  }
0x98: {  	_ =	strace s17  }
0x99: {  	s3 =	sld [smem:$0x3FFC];
	_ =	sdelay $0x3  }
0x9a: {  	_ =	strace s3  }
0x9b: {  	s3 =	sld [smem:$0x3FFD];
	_ =	sdelay $0x3  }
0x9c: {  	_ =	strace s3  }
0x9d: {  	_ =	strace $0x8FFFFFFF  }
0x9e: {  	s18 =	sld [smem:$0x3FDB];
	_ =	sdelay $0x1  }
0x9f: {  	s19 =	simm.s32 $_scs_section_size  }
0xa0: {  	s5 =	simm.s32 $_size__tile_overlayer_lowered;
	s6 =	simm.s32 $_tile_overlayer_lowered  }
0xa1: {  	s22 =	simm.s32 $0x1BFF;
	s21 =	sshll.u32 s6, $0x1;
	s3 =	sadd.s32 s19, s18  }
0xa2: {  	s7 =	simm.s32 $0x0;
	s20 =	sshll.u32 s5, $0x1;
	s5 =	sadd.s32 s21, s3  }
0xa3: {  	[timem:s7], [sflag:s22] =	dma.local [hbm:s5], s20  }
0xa4: {  	_ =	swait.ge [sflag:s22], s20  }
0xa5: {  	s4 =	ssub.s32 $0x0, s20;
	[sflag:s22] =	ssyncset.done $0x0  }
0xa6: {  	[sflag:s22] =	ssyncadd.s32 s4;
	_ =	sdelay $0x1  }
0xa7: {  	s23 =	simm.s32 $0x1B8B  }
0xa8: {  	_ =	swait.ge [sflag:s23], $0x1  }
0xa9: {  	[sflag:s23] =	ssyncset.done $0x0  }
0xaa: {  	s25 =	simm.s32 $0x1B8E;
	s24 =	sld [smem:$0x3FFE];
	[sflag:s23] =	ssyncadd.s32 $0xFFFFFFFF  }
0xab: {  	s26 =	simm.s32 $execute0_lowered;
	[smem:$0x3FD2] =	sst s25  }
0xac: {  	s5 =	sshll.u32 s26, $0x1;
	_ =	strace $0x80000046;
	[dreg:$0x1] =	wrdreg $0xFFFFFFFF  }
0xad: {  	s28 =	simm.s32 $_size_execute0_lowered;
	s3 =	sadd.s32 s3, s5;
	[dreg:$0x0] =	wrdreg $0x0  }
0xae: {  	s5 =	sshll.u32 s28, $0x1;
	[dreg:$0x2] =	wrdreg s3  }
0xaf: {  	[dreg:$0x3] =	wrdreg s5  }
0xb0: {  	[dreg:$0x4] =	wrdreg $0xC0  }
0xb1: {  	_ =	task [dreg:s7], $0x5FFFF  }
0xb2: {  	[dreg:$0x1] =	wrdreg $0xFFFFFFFF  }
0xb3: {  	[dreg:$0x0] =	wrdreg $0x60  }
0xb4: {  	[dreg:$0x2] =	wrdreg s24  }
0xb5: {  	[dreg:$0x3] =	wrdreg s16  }
0xb6: {  	[dreg:$0x4] =	wrdreg $0x28000  }
0xb7: {  	[dreg:$0x5] =	wrdreg $0x9  }
0xb8: {  	_ =	task.clear_ibuf [dreg:s7], $0x6FFFF;
	_ =	strace $0x90000046  }
0xb9: {  	s29 =	simm.s32 $0x9;
	_ =	strace $0x80000048  }
0xba: {  	_ =	swait.ge [sflag:s29], $0x1  }
0xbb: {  	[sflag:s29] =	ssyncadd.s32 $0xFFFFFFFF  }
0xbc: {  	_ =	strace $0x90000048  }
0xbd: {  	_ =	sfence  }
0xbe: {  	s30 =	sld [smem:$0x0];
	_ =	sdelay $0x2  }
0xbf: {  	s31 =	sshll.u32 s1, $0xD;
	s1 =	sshrl.u32 s1, $0x2  }
0xc0: {  	s3 =	sand.u32 $0x4000, s31;
	s1 =	sadd.s32 s1, s30  }
0xc1: {  	s0 =	sor.u32 s3, s0;
	s1 =	sshll.u32 s1, $0x11  }
0xc2: {  	s0 =	sor.u32 s1, s0  }
0xc3: {  	s0 =	sadd.s32 $0x8F2B, s0  }
0xc4: {  	[sflag:s0] =	ssyncadd.remote.s32 $0x1  }
0xc5: {  	_ =	sfence.sel $0xFFFF  }
0xc6: {  	[dreg:$0x0] =	wrdreg $0xFFFFFFFF;
	(pc) =	sbr.abs _section_cstart, $3  }
0xc7: {  	[dreg:$0x1] =	wrdreg $0xFFFFFFFF  }
0xc8: {  	_ =	task.clear_ibuf [dreg:s7], $0x2FFFF;
	_ =	strace $0x9FFFFFFF  }
0xc9: {  	(tm) =	ssettm $0x7FFFFFFF  }
tec
execute0_lowered:
.L_overlay_start_1:
0x0: {  	(tag) =	ssettag $0x1  }
0x1: {  	s3 =	rddreg [dreg:$0x0]  }
0x2: {  	s0 =	srdreg.scid;
	s8 =	rddreg [dreg:$0x1]  }
0x3: {  	s10 =	stileid.u32;
	s1 =	rddreg [dreg:$0x2];
	s2 =	simm.s32 $0x0  }
0x4: {  	s15 =	simm.s32 $0x6860;
	s16 =	simm.s32 $0x2;
	s12 =	smul.u32 $0x280000, s10  }
0x5: {  	s17 =	simm.s32 $0x2780;
	s7 =	sand.u32 $0x1, s0;
	s14 =	smul.u32 $0x50000, s10  }
0x6: {  	s18 =	simm.s32 $0x0;
	s25 =	sshll.u32 s10, $0x1;
	s13 =	smul.u32 $0x140000, s7  }
0x7: {  	s0 =	rddreg [dreg:$0x3];
	s4 =	sor.u32 s7, s25;
	s28 =	smul.u32 $0x28000, s7  }
0x8: {  	[smem:$0x7FF] =	sst s2;
	p0 =	sne.s32 s10, $0x0;
	s5 =	smul.u32 $0x2800, s4  }
0x9: {  	s10 =	simm.s32 $0x3;
	s9 =	ssub.s32 $0x2, s7;
	s6 =	smul.u32 $0x140000, s4  }
0xa: {  	_ =	strace $0x80000047;
	s11 =	smul.u32 $0x28000, s4;
	s26 =	sshrl.u32 s9, $0x1  }
0xb: {  	s31 =	sadd.s32 s14, s8;
	s14 =	simm.s32 $0x1;
	s9 =	ssub.s32 s9, s26  }
0xc: {  	s30 =	sadd.s32 s13, s12;
	s12 =	simm.s32 $0x80;
	s13 =	simm.s32 $0x2860  }
0xd: {  	s5 =	sshrl.u32 s5, $0x3;
	s6 =	sshrl.u32 s6, $0x3;
	s29 =	sadd.s32 s8, s11  }
0xe: {  	s11 =	sshrl.u32 s30, $0x3;
	s5 =	sadd.s32 s5, s3;
	s3 =	sadd.s32 $0xD200, s3  }
0xf: {  	s6 =	sadd.s32 s8, s6;
	s7 =	sadd.s32 $0x27800, s29;
	s8 =	sadd.s32 s11, s8  }
0x10: {  	s4 =	sadd.s32 $0x3200, s5;
	s5 =	smax.u32 s9, $0x1;
	s9 =	sadd.s32 s28, s31  }
0x11: {  	s11 =	sshrl.u32 @!p0 s1, $0x3;
	s6 =	sadd.s32 $0x27000, s6;
	s9 =	sadd.s32 $0x800, s9  }
.LBB2_1:
0x12: {  	[tilespmem:s2], [sflag:$0x3] =	stream.linear.gather [hbm4b:s4+s2], $0x2800, $0x38;
	[tilespmem:$0xA860] =	vst v63  }
0x13: {  	_ =	swait.ge [sflag:s10], $0x2800  }
0x14: {  	[sflag:s10] =	ssyncset.done $0x0  }
0x15: {  	s19 =	simm.s32 @!p0 $0x1C03;
	[sflag:s10] =	ssyncadd.s32 $0xFFFFD800  }
0x16: {  	[spmem:s11], [sflag:s19] =	dma.local @!p0 [hbm:s3], $0xC0  }
0x17: {  	s19 =	simm.s32 @!p0 $0x3  }
0x18: {  	_ =	swait.ge @!p0 [sflag:s19], $0xC0  }
0x19: {  	[sflag:s19] =	ssyncset.done @!p0 $0x0  }
0x1a: {  	[sflag:s19] =	ssyncadd.s32 @!p0 $0xFFFFFF40  }
0x1b: {  	[bflag:$0x0] =	sbarrier.arrive $0xFFFF  }
0x1c: {  	[tilespmem:s13], [sflag:$0x1] =	stream.indirect.gather [spmem:s1], $0x80, s2, s12, $0xb8;
	[tilespmem:$0xA860] =	vst v63  }
0x1d: {  	_ =	swait.ge [sflag:s14], $0x4000  }
0x1e: {  	[sflag:s14] =	ssyncset.done $0x0  }
0x1f: {  	s28 =	simm.s32 $0x80;
	[sflag:s14] =	ssyncadd.s32 $0xFFFFC000  }
0x20: {  	[tilespmem:s15], [sflag:$0x1] =	stream.indirect.gather [spmem:s1], $0x80, s28, s12, $0xb8;
	[tilespmem:$0xA860] =	vst v63  }
0x21: {  	s29 =	sadd.s32 $0x0, s8  }
0x22: {  	[hbm4b:s29+s2] =	stream.linear.scatter [tilespmem:s13], [sflag:$0x2], $0x4000, $0x38;
	[tilespmem:$0xA860] =	vst v63  }
0x23: {  	_ =	swait.ge [sflag:s16], $0x4000  }
0x24: {  	[sflag:s16] =	ssyncset.done $0x0  }
0x25: {  	[sflag:s16] =	ssyncadd.s32 $0xFFFFC000  }
0x26: {  	_ =	swait.ge [sflag:s14], $0x4000  }
0x27: {  	[sflag:s14] =	ssyncset.done $0x0  }
0x28: {  	s30 =	sadd.s32 $0x0, s9;
	[sflag:s14] =	ssyncadd.s32 $0xFFFFC000  }
0x29: {  	[hbm4b:s30+s2] =	stream.linear.scatter [tilespmem:s15], [sflag:$0x2], $0x4000, $0x38;
	[tilespmem:$0xA860] =	vst v63  }
0x2a: {  	s31 =	simm.s32 $0x100  }
0x2b: {  	[tilespmem:s13], [sflag:$0x1] =	stream.indirect.gather [spmem:s1], $0x80, s31, s12, $0xb8;
	[tilespmem:$0xA860] =	vst v63  }
0x2c: {  	_ =	swait.ge [sflag:s14], $0x4000  }
0x2d: {  	[sflag:s14] =	ssyncset.done $0x0  }
0x2e: {  	[sflag:s14] =	ssyncadd.s32 $0xFFFFC000  }
0x2f: {  	s21 =	simm.s32 $0x2000;
	_ =	swait.ge [sflag:s16], $0x4000  }
0x30: {  	s20 =	simm.s32 $0x200;
	s19 =	simm.s32 $0x1000;
	[sflag:s16] =	ssyncset.done $0x0  }
.LBB2_2:
0x31: {  	p1 =	sne.s32 s21, $0x26000;
	s22 =	sadd.s32 $0xFFFFFF80, s20;
	[sflag:s16] =	ssyncadd.s32 $0xFFFFC000  }
0x32: {  	[tilespmem:s15], [sflag:$0x1] =	stream.indirect.gather [spmem:s1], $0x80, s22, s12, $0xb8;
	[tilespmem:$0xA860] =	vst v63  }
0x33: {  	s23 =	smov.u32 s21;
	s21 =	sadd.s32 $0x1000, s21;
	s22 =	sadd.s32 s19, s8  }
0x34: {  	[hbm4b:s22+s2] =	stream.linear.scatter [tilespmem:s13], [sflag:$0x2], $0x4000, $0x38;
	[tilespmem:$0xA860] =	vst v63  }
0x35: {  	_ =	swait.ge [sflag:s16], $0x4000  }
0x36: {  	[sflag:s16] =	ssyncset.done $0x0  }
0x37: {  	[sflag:s16] =	ssyncadd.s32 $0xFFFFC000  }
0x38: {  	_ =	swait.ge [sflag:s14], $0x4000  }
0x39: {  	[sflag:s14] =	ssyncset.done $0x0  }
0x3a: {  	s22 =	sadd.s32 s19, s9;
	s19 =	smov.u32 s23;
	[sflag:s14] =	ssyncadd.s32 $0xFFFFC000  }
0x3b: {  	[hbm4b:s22+s2] =	stream.linear.scatter [tilespmem:s15], [sflag:$0x2], $0x4000, $0x38;
	[tilespmem:$0xA860] =	vst v63  }
0x3c: {  	_ = 	snop  }
0x3d: {  	[tilespmem:s13], [sflag:$0x1] =	stream.indirect.gather [spmem:s1], $0x80, s20, s12, $0xb8;
	[tilespmem:$0xA860] =	vst v63  }
.Ltmp0:
0x3e: {  	_ =	swait.ge [sflag:s14], $0x4000;
	(pc) =	sbr.rel @p1 .LBB2_2-.Ltmp0, $4  }
0x3f: {  	[sflag:s14] =	ssyncset.done $0x0  }
0x40: {  	[sflag:s14] =	ssyncadd.s32 $0xFFFFC000  }
0x41: {  	_ =	swait.ge [sflag:s16], $0x4000  }
0x42: {  	s20 =	sadd.s32 $0x100, s20;
	[sflag:s16] =	ssyncset.done $0x0  }
0x43: {  	s21 =	sadd.s32 $0xFFFFFF80, s20;
	[sflag:s16] =	ssyncadd.s32 $0xFFFFC000  }
0x44: {  	[tilespmem:s15], [sflag:$0x1] =	stream.indirect.gather [spmem:s1], $0x80, s21, s12, $0xb8;
	[tilespmem:$0xA860] =	vst v63  }
0x45: {  	s30 =	sadd.s32 s19, s8  }
0x46: {  	[hbm4b:s30+s2] =	stream.linear.scatter [tilespmem:s13], [sflag:$0x2], $0x4000, $0x38;
	[tilespmem:$0xA860] =	vst v63  }
0x47: {  	_ =	swait.ge [sflag:s16], $0x4000  }
0x48: {  	[sflag:s16] =	ssyncset.done $0x0  }
0x49: {  	[sflag:s16] =	ssyncadd.s32 $0xFFFFC000  }
0x4a: {  	_ =	swait.ge [sflag:s14], $0x4000  }
0x4b: {  	[sflag:s14] =	ssyncset.done $0x0  }
0x4c: {  	s31 =	sadd.s32 s19, s9;
	[sflag:s14] =	ssyncadd.s32 $0xFFFFC000  }
0x4d: {  	[hbm4b:s31+s2] =	stream.linear.scatter [tilespmem:s15], [sflag:$0x2], $0x4000, $0x38;
	[tilespmem:$0xA860] =	vst v63  }
0x4e: {  	_ = 	snop  }
0x4f: {  	[tilespmem:s13], [sflag:$0x1] =	stream.indirect.gather [spmem:s1], $0x80, s20, s12, $0xb8;
	[tilespmem:$0xA860] =	vst v63  }
0x50: {  	_ =	swait.ge [sflag:s14], $0x4000  }
0x51: {  	[sflag:s14] =	ssyncset.done $0x0  }
0x52: {  	[sflag:s14] =	ssyncadd.s32 $0xFFFFC000  }
0x53: {  	_ =	swait.ge [sflag:s16], $0x4000  }
0x54: {  	[sflag:s16] =	ssyncset.done $0x0  }
0x55: {  	[sflag:s16] =	ssyncadd.s32 $0xFFFFC000  }
0x56: {  	[tilespmem:s15], [sflag:$0x1] =	stream.indirect.gather [spmem:s1], $0x80, s17, s12, $0xb8;
	[tilespmem:$0xA860] =	vst v63  }
0x57: {  	_ = 	snop  }
0x58: {  	[hbm4b:s6+s2] =	stream.linear.scatter [tilespmem:s13], [sflag:$0x2], $0x4000, $0x38;
	[tilespmem:$0xA860] =	vst v63  }
0x59: {  	_ =	swait.ge [sflag:s16], $0x4000  }
0x5a: {  	[sflag:s16] =	ssyncset.done $0x0  }
0x5b: {  	[sflag:s16] =	ssyncadd.s32 $0xFFFFC000  }
0x5c: {  	s18 =	sadd.s32 $0x1, s18;
	_ =	swait.ge [sflag:s14], $0x4000  }
0x5d: {  	p1 =	sne.s32 s18, s5;
	[sflag:s14] =	ssyncset.done $0x0  }
.Ltmp1:
0x5e: {  	[sflag:s14] =	ssyncadd.s32 $0xFFFFC000;
	(pc) =	sbr.rel @p1 .LBB2_1-.Ltmp1, $4  }
0x5f: {  	[hbm4b:s7+s2] =	stream.linear.scatter [tilespmem:s15], [sflag:$0x2], $0x4000, $0x38;
	[tilespmem:$0xA860] =	vst v63  }
0x60: {  	_ =	swait.ge [sflag:s16], $0x4000  }
0x61: {  	[sflag:s16] =	ssyncset.done $0x0  }
0x62: {  	[sflag:s16] =	ssyncadd.s32 $0xFFFFC000  }
0x63: {  	_ =	sfence.sel $0x180000  }
0x64: {  	[bflag:$0x0] =	sbarrier.arrive $0xFFFF  }
0x65: {  	_ =	strace $0x90000047  }
0x66: {  	s0 =	sadd.s32 @!p0 $0x100000, s0;
	[bflag:$0x2] =	sbarrier.arrive $0xFFFF  }
0x67: {  	[sflag:s0] =	ssyncadd.tile.s32 @!p0 $0x1;
	_ =	shalt  }
.Lfunc_end2:
_tile_overlayer_lowered:
.L_overlay_start_2:
0x68: {  	(tag) =	ssettag $0x2  }
0x69: {  	s0 =	rddreg [dreg:$0x0];
	s2 =	stileid.u32  }
0x6a: {  	s1 =	rddreg [dreg:$0x1];
	p0 =	sne.s32 s2, $0x0  }
0x6b: {  	s3 =	rddreg [dreg:$0x2];
	[bflag:$0x3] =	sbarrier.arrive $0xFFFF;
	s2 =	simm.s32 @!p0 $0x1C03  }
0x6c: {  	[timem:s3], [sflag:s2] =	dma.local @!p0 [hbm:s0], s1  }
0x6d: {  	s0 =	simm.s32 @!p0 $0x3  }
0x6e: {  	_ =	swait.ge @!p0 [sflag:s0], s1  }
0x6f: {  	s1 =	ssub.s32 @!p0 $0x0, s1;
	[sflag:s0] =	ssyncset.done @!p0 $0x0  }
0x70: {  	[sflag:s0] =	ssyncadd.s32 @!p0 s1  }
0x71: {  	[bflag:$0x3] =	sbarrier.arrive $0xFFFF  }
0x72: {  	_ =	shalt  }

</sc_bundles>
